<compile_context>
chip_gen: v7x
topology: tpu7x:2x2x1
jax: 0.10.2.dev20260603
libtpu: 0.0.44.dev20260713+nightly
codegen_flags: <defaults>
</compile_context>

<pallas_src>
import functools

import jax
import jax.numpy as jnp
from jax import lax
from jax.experimental import pallas as pl
from jax.experimental.pallas import tpu as pltpu
from jax.experimental.pallas import tpu_sc as plsc

N_TOKENS = 32768
DIM = 768
N_EXPERTS = 64
TOPK = 8
N_GROUPS = 8
GROUP_SIZE = N_EXPERTS // N_GROUPS
TOPK_GROUPS = 4

TILE = 4096

NEG_INF = float("-inf")


def _softmax_kernel(x_ref, wt_ref, p_ref, g_ref):
    t = x_ref.shape[0]
    scores = jnp.dot(x_ref[...], wt_ref[...], preferred_element_type=jnp.float32)
    s = scores.T
    smax = jnp.max(s, axis=0, keepdims=True)
    e = jnp.exp(s - smax)
    p = e / jnp.sum(e, axis=0, keepdims=True)
    p_ref[...] = p.T

    gs = jnp.max(p.reshape(N_GROUPS, GROUP_SIZE, t), axis=1)
    glane = lax.broadcasted_iota(jnp.int32, (N_GROUPS, t), 0)
    sels = []
    for k in range(TOPK_GROUPS):
        gm = jnp.max(gs, axis=0, keepdims=True)
        gsel = jnp.min(jnp.where(gs == gm, glane, N_GROUPS), axis=0,
                       keepdims=True)
        sels.append(gsel)
        if k != TOPK_GROUPS - 1:
            gs = jnp.where(glane == gsel, NEG_INF, gs)
    sels += [jnp.zeros_like(sels[0])] * (8 - TOPK_GROUPS)
    g_ref[...] = jnp.concatenate(sels, axis=0).T


def _route_body(p_hbm, g_hbm, w_hbm, i_hbm, p_v, g_v, w_v, i_v, *,
                rows_per, n_cores):
    cid = lax.axis_index("c")
    sid = lax.axis_index("s")
    wid = sid * n_cores + cid
    base = wid * rows_per

    pltpu.sync_copy(p_hbm.at[pl.ds(base * N_EXPERTS, rows_per * N_EXPERTS)], p_v)
    pltpu.sync_copy(g_hbm.at[pl.ds(base * 8, rows_per * 8)], g_v)

    lane = lax.iota(jnp.int32, 16)
    lane8 = lane & 7
    lane_hi = lane >> 3
    low8 = lane < 8

    @plsc.parallel_loop(0, rows_per, unroll=4)
    def _(r):
        gbase = jnp.full((16,), r * 8, jnp.int32)
        ga = plsc.load_gather(g_v, [gbase + lane_hi])
        gb = plsc.load_gather(g_v, [gbase + lane_hi + 2])
        cols_a = ga * GROUP_SIZE + lane8
        cols_b = gb * GROUP_SIZE + lane8
        rbase = jnp.full((16,), r * N_EXPERTS, jnp.int32)
        va = plsc.load_gather(p_v, [rbase + cols_a])
        vb = plsc.load_gather(p_v, [rbase + cols_b])
        ka, ia = plsc.sort_key_val(va, cols_a, descending=True)
        kb, ib = plsc.sort_key_val(vb, cols_b, descending=True)
        kc = jnp.where(low8, ka, kb.at[lane8].get(mode="promise_in_bounds"))
        ic = jnp.where(low8, ia, ib.at[lane8].get(mode="promise_in_bounds"))
        kf, if_ = plsc.sort_key_val(kc, ic, descending=True)
        out_idx = jnp.full((16,), r * TOPK, jnp.int32) + lane
        plsc.store_scatter(w_v, [out_idx], kf, mask=low8)
        plsc.store_scatter(i_v, [out_idx], if_, mask=low8)

    pltpu.sync_copy(w_v, w_hbm.at[pl.ds(base * TOPK, rows_per * TOPK)])
    pltpu.sync_copy(i_v, i_hbm.at[pl.ds(base * TOPK, rows_per * TOPK)])


@jax.jit
def kernel(x, weight):
    n = x.shape[0]
    wt = weight.T
    grid = (n // TILE,)
    p, g = pl.pallas_call(
        _softmax_kernel,
        grid=grid,
        in_specs=[
            pl.BlockSpec((TILE, DIM), lambda i: (i, 0)),
            pl.BlockSpec((DIM, N_EXPERTS), lambda i: (0, 0)),
        ],
        out_specs=[
            pl.BlockSpec((TILE, N_EXPERTS), lambda i: (i, 0)),
            pl.BlockSpec((TILE, 8), lambda i: (i, 0)),
        ],
        out_shape=[
            jax.ShapeDtypeStruct((n, N_EXPERTS), jnp.float32),
            jax.ShapeDtypeStruct((n, 8), jnp.int32),
        ],
    )(x, wt)

    info = plsc.get_sparse_core_info()
    nc, ns = info.num_cores, info.num_subcores
    rows_per = n // (nc * ns)
    mesh = plsc.VectorSubcoreMesh(core_axis_name="c", subcore_axis_name="s")
    w_flat, i_flat = pl.kernel(
        functools.partial(_route_body, rows_per=rows_per, n_cores=nc),
        out_type=[jax.ShapeDtypeStruct((n * TOPK,), jnp.float32),
                  jax.ShapeDtypeStruct((n * TOPK,), jnp.int32)],
        mesh=mesh,
        compiler_params=pltpu.CompilerParams(needs_layout_passes=False),
        scratch_types=[pltpu.VMEM((rows_per * N_EXPERTS,), jnp.float32),
                       pltpu.VMEM((rows_per * 8,), jnp.int32),
                       pltpu.VMEM((rows_per * TOPK,), jnp.float32),
                       pltpu.VMEM((rows_per * TOPK,), jnp.int32)],
    )(p.reshape(-1), g.reshape(-1))
    return w_flat.reshape(n, TOPK), i_flat.reshape(n, TOPK)

# --- scband reference (transcript-rebuilt; emitter-appended) ---
"""Pipeline reference for scband-gate-51616916963810 (READ-ONLY COPY).

The authoritative reference and input builder live on the scoring server;
editing this copy changes nothing except your own understanding.
"""

import jax, jax.numpy as jnp
import numpy as np

N_TOKENS = 32768
DIM = 768
N_EXPERTS = 64
TOPK = 8
N_GROUPS = 8
TOPK_GROUPS = 4
ROUTE_SCALE = 1.0


def setup_inputs(seed: int = 0) -> dict:
    key = jax.random.key(seed)
    k1, k2 = jax.random.split(key)
    x = jax.random.normal(k1, (N_TOKENS, DIM), dtype=jnp.float32)
    weight = jax.random.normal(k2, (N_EXPERTS, DIM), dtype=jnp.float32) * 0.02
    return {"x": x, "weight": weight}


def reference(x, weight):
    # scores = x @ W^T, softmax over experts
    scores = jnp.matmul(x, weight.T)
    scores = jax.nn.softmax(scores, axis=-1)
    original_scores = scores
    # bias is None since dim != 7168
    n = x.shape[0]
    # group routing: n_groups > 1
    s = scores.reshape(n, N_GROUPS, -1)
    group_scores = jnp.max(s, axis=-1)  # amax per group (bias is None)
    _, gidx = jax.lax.top_k(group_scores, TOPK_GROUPS)
    mask = jnp.ones((n, N_GROUPS), dtype=bool)
    mask = mask.at[jnp.arange(n)[:, None], gidx].set(False)
    s = jnp.where(mask[:, :, None], -jnp.inf, s)
    s = s.reshape(n, -1)
    _, indices = jax.lax.top_k(s, TOPK)
    weights = jnp.take_along_axis(original_scores, indices, axis=1)
    weights = weights * ROUTE_SCALE
    return weights, indices

if __name__ == "__main__":
    import jax
    _d = setup_inputs()
    print(jax.jit(kernel)(*tuple(_d.values())))

</pallas_src>

<mosaic_0001>
#map = affine_map<(d0, d1) -> (0)>
module attributes {stable_mosaic.version = 14 : i64} {
  func.func @_route_body(%arg0: i32, %arg1: i32, %arg2: memref<2097152xf32, #tpu.memory_space<hbm>>, %arg3: memref<262144xi32, #tpu.memory_space<hbm>>, %arg4: memref<262144xf32, #tpu.memory_space<hbm>>, %arg5: memref<262144xi32, #tpu.memory_space<hbm>>, %arg6: memref<65536xf32, #tpu.memory_space<vmem>>, %arg7: memref<8192xi32, #tpu.memory_space<vmem>>, %arg8: memref<8192xf32, #tpu.memory_space<vmem>>, %arg9: memref<8192xi32, #tpu.memory_space<vmem>>) attributes {dimension_semantics = [#tpu.dimension_semantics<core_parallel>, #tpu.dimension_semantics<subcore_parallel>], iteration_bounds = array<i64: 2, 16>, scalar_prefetch = 0 : i64, scratch_operands = 4 : i64, tpu.core_type = #tpu.core_type<sc_vector_subcore>, window_params = [{transform_indices = #map}, {transform_indices = #map}, {transform_indices = #map}, {transform_indices = #map}]} {
    %mul3A = arith.constant 2 : i32
    %mul3A_0 = arith.muli %arg1, %mul3A : i32
    %add3A = arith.addi %mul3A_0, %arg0 : i32
    %mul3A_1 = arith.constant 1024 : i32
    %mul3A_2 = arith.muli %add3A, %mul3A_1 : i32
    %mul3A_3 = arith.constant 64 : i32
    %mul3A_4 = arith.muli %mul3A_2, %mul3A_3 : i32
    "tpu.region"() ({
      %run_scoped3A = tpu.sem_alloc : memref<!tpu.dma_semaphore, #tpu.memory_space<semaphore_mem>>
      %dma_start3A = tpu.memref_slice %arg2[%mul3A_4] : memref<2097152xf32, #tpu.memory_space<hbm>> -> memref<65536xf32, #tpu.memory_space<hbm>>
      %dma_start3A_19 = tpu.memref_slice %arg2[%mul3A_4] : memref<2097152xf32, #tpu.memory_space<hbm>> -> memref<65536xf32, #tpu.memory_space<hbm>>
      tpu.enqueue_dma source(%dma_start3A_19 : memref<65536xf32, #tpu.memory_space<hbm>>) target(%arg6 : memref<65536xf32, #tpu.memory_space<vmem>>) target_semaphore(%run_scoped3A : memref<!tpu.dma_semaphore, #tpu.memory_space<semaphore_mem>>)
      %dma_wait3A = tpu.memref_slice %arg2[%mul3A_4] : memref<2097152xf32, #tpu.memory_space<hbm>> -> memref<65536xf32, #tpu.memory_space<hbm>>
      %dma_wait3A_20 = tpu.memref_slice %arg2[%mul3A_4] : memref<2097152xf32, #tpu.memory_space<hbm>> -> memref<65536xf32, #tpu.memory_space<hbm>>
      tpu.wait_dma2 semaphore(%run_scoped3A : memref<!tpu.dma_semaphore, #tpu.memory_space<semaphore_mem>>) src(%dma_wait3A_20 : memref<65536xf32, #tpu.memory_space<hbm>>) dst(%arg6 : memref<65536xf32, #tpu.memory_space<vmem>>)
      tpu.yield
    }) : () -> ()
    %mul3A_5 = arith.constant 8 : i32
    %mul3A_6 = arith.muli %mul3A_2, %mul3A_5 : i32
    "tpu.region"() ({
      %run_scoped3A = tpu.sem_alloc : memref<!tpu.dma_semaphore, #tpu.memory_space<semaphore_mem>>
      %dma_start3A = tpu.memref_slice %arg3[%mul3A_6] : memref<262144xi32, #tpu.memory_space<hbm>> -> memref<8192xi32, #tpu.memory_space<hbm>>
      %dma_start3A_19 = tpu.memref_slice %arg3[%mul3A_6] : memref<262144xi32, #tpu.memory_space<hbm>> -> memref<8192xi32, #tpu.memory_space<hbm>>
      tpu.enqueue_dma source(%dma_start3A_19 : memref<8192xi32, #tpu.memory_space<hbm>>) target(%arg7 : memref<8192xi32, #tpu.memory_space<vmem>>) target_semaphore(%run_scoped3A : memref<!tpu.dma_semaphore, #tpu.memory_space<semaphore_mem>>)
      %dma_wait3A = tpu.memref_slice %arg3[%mul3A_6] : memref<262144xi32, #tpu.memory_space<hbm>> -> memref<8192xi32, #tpu.memory_space<hbm>>
      %dma_wait3A_20 = tpu.memref_slice %arg3[%mul3A_6] : memref<262144xi32, #tpu.memory_space<hbm>> -> memref<8192xi32, #tpu.memory_space<hbm>>
      tpu.wait_dma2 semaphore(%run_scoped3A : memref<!tpu.dma_semaphore, #tpu.memory_space<semaphore_mem>>) src(%dma_wait3A_20 : memref<8192xi32, #tpu.memory_space<hbm>>) dst(%arg7 : memref<8192xi32, #tpu.memory_space<vmem>>)
      tpu.yield
    }) : () -> ()
    %iota3A = tpu.iota {dimensions = array<i32: 0>} : vector<16xi32>
    %and3A = arith.constant 7 : i32
    %and3A_7 = vector.broadcast %and3A : i32 to vector<16xi32>
    %and3A_8 = arith.andi %iota3A, %and3A_7 : vector<16xi32>
    %shift_right_arithmetic3A = arith.constant 3 : i32
    %shift_right_arithmetic3A_9 = vector.broadcast %shift_right_arithmetic3A : i32 to vector<16xi32>
    %shift_right_arithmetic3A_10 = arith.shrsi %iota3A, %shift_right_arithmetic3A_9 : vector<16xi32>
    %lt3A = arith.constant 8 : i32
    %lt3A_11 = vector.broadcast %lt3A : i32 to vector<16xi32>
    %lt3A_12 = arith.cmpi slt, %iota3A, %lt3A_11 : vector<16xi32>
    %parallel_loop3A = arith.constant 0 : i32
    %parallel_loop3A_13 = arith.constant 1024 : i32
    %parallel_loop3A_14 = arith.constant 1 : i32
    scf.for %parallel_loop3A_19 = %parallel_loop3A to %parallel_loop3A_13 step %parallel_loop3A_14  : i32 {
      %parallel_loop3A_20 = arith.constant 8 : i32
      %parallel_loop3A_21 = arith.muli %parallel_loop3A_19, %parallel_loop3A_20 : i32
      %parallel_loop3A_22 = vector.broadcast %parallel_loop3A_21 : i32 to vector<16xi32>
      %parallel_loop3A_23 = arith.addi %parallel_loop3A_22, %shift_right_arithmetic3A_10 : vector<16xi32>
      %parallel_loop3A_24 = tpu.vector_load_idx %arg7[%parallel_loop3A_23] : memref<8192xi32, #tpu.memory_space<vmem>>[vector<16xi32>], vector<16xi32>,
      %parallel_loop3A_25 = arith.addi %parallel_loop3A_22, %shift_right_arithmetic3A_10 : vector<16xi32>
      %parallel_loop3A_26 = arith.constant 2 : i32
      %parallel_loop3A_27 = vector.broadcast %parallel_loop3A_26 : i32 to vector<16xi32>
      %parallel_loop3A_28 = arith.addi %parallel_loop3A_25, %parallel_loop3A_27 : vector<16xi32>
      %parallel_loop3A_29 = tpu.vector_load_idx %arg7[%parallel_loop3A_28] : memref<8192xi32, #tpu.memory_space<vmem>>[vector<16xi32>], vector<16xi32>,
      %parallel_loop3A_30 = arith.constant 8 : i32
      %parallel_loop3A_31 = vector.broadcast %parallel_loop3A_30 : i32 to vector<16xi32>
      %parallel_loop3A_32 = arith.muli %parallel_loop3A_24, %parallel_loop3A_31 : vector<16xi32>
      %parallel_loop3A_33 = arith.addi %parallel_loop3A_32, %and3A_8 : vector<16xi32>
      %parallel_loop3A_34 = arith.constant 8 : i32
      %parallel_loop3A_35 = vector.broadcast %parallel_loop3A_34 : i32 to vector<16xi32>
      %parallel_loop3A_36 = arith.muli %parallel_loop3A_29, %parallel_loop3A_35 : vector<16xi32>
      %parallel_loop3A_37 = arith.addi %parallel_loop3A_36, %and3A_8 : vector<16xi32>
      %parallel_loop3A_38 = arith.constant 64 : i32
      %parallel_loop3A_39 = arith.muli %parallel_loop3A_19, %parallel_loop3A_38 : i32
      %parallel_loop3A_40 = vector.broadcast %parallel_loop3A_39 : i32 to vector<16xi32>
      %parallel_loop3A_41 = arith.addi %parallel_loop3A_40, %parallel_loop3A_33 : vector<16xi32>
      %parallel_loop3A_42 = tpu.vector_load_idx %arg6[%parallel_loop3A_41] : memref<65536xf32, #tpu.memory_space<vmem>>[vector<16xi32>], vector<16xf32>,
      %parallel_loop3A_43 = arith.addi %parallel_loop3A_40, %parallel_loop3A_37 : vector<16xi32>
      %parallel_loop3A_44 = tpu.vector_load_idx %arg6[%parallel_loop3A_43] : memref<65536xf32, #tpu.memory_space<vmem>>[vector<16xi32>], vector<16xf32>,
      %parallel_loop3A_45 = arith.constant dense<true> : vector<16xi1>
      %parallel_loop3A_46, %parallel_loop3A_47, %parallel_loop3A_48 = tpu.sort %parallel_loop3A_42, %parallel_loop3A_33 masked %parallel_loop3A_45 {descending = true} : (vector<16xf32>, vector<16xi32>, vector<16xi1>) -> (vector<16xi1>, vector<16xf32>, vector<16xi32>)
      %parallel_loop3A_49 = arith.constant dense<true> : vector<16xi1>
      %parallel_loop3A_50, %parallel_loop3A_51, %parallel_loop3A_52 = tpu.sort %parallel_loop3A_44, %parallel_loop3A_37 masked %parallel_loop3A_49 {descending = true} : (vector<16xf32>, vector<16xi32>, vector<16xi1>) -> (vector<16xi1>, vector<16xf32>, vector<16xi32>)
      %parallel_loop3A_53 = arith.constant 0 : i32
      %parallel_loop3A_54 = vector.broadcast %parallel_loop3A_53 : i32 to vector<16xi32>
      %parallel_loop3A_55 = arith.cmpi slt, %and3A_8, %parallel_loop3A_54 : vector<16xi32>
      %parallel_loop3A_56 = arith.constant 16 : i32
      %parallel_loop3A_57 = vector.broadcast %parallel_loop3A_56 : i32 to vector<16xi32>
      %parallel_loop3A_58 = arith.addi %and3A_8, %parallel_loop3A_57 : vector<16xi32>
      %parallel_loop3A_59 = arith.select %parallel_loop3A_55, %parallel_loop3A_58, %and3A_8 : vector<16xi1>, vector<16xi32>
      %parallel_loop3A_60 = vector.shape_cast %parallel_loop3A_59 : vector<16xi32> to vector<16x1xi32>
      %parallel_loop3A_61 = vector.shape_cast %parallel_loop3A_60 : vector<16x1xi32> to vector<16xi32>
      %parallel_loop3A_62 = tpu.dynamic_gather %parallel_loop3A_51[%parallel_loop3A_61] in [0] : vector<16xf32>, vector<16xi32> -> vector<16xf32>
      %parallel_loop3A_63 = arith.select %lt3A_12, %parallel_loop3A_47, %parallel_loop3A_62 : vector<16xi1>, vector<16xf32>
      %parallel_loop3A_64 = arith.constant 0 : i32
      %parallel_loop3A_65 = vector.broadcast %parallel_loop3A_64 : i32 to vector<16xi32>
      %parallel_loop3A_66 = arith.cmpi slt, %and3A_8, %parallel_loop3A_65 : vector<16xi32>
      %parallel_loop3A_67 = arith.constant 16 : i32
      %parallel_loop3A_68 = vector.broadcast %parallel_loop3A_67 : i32 to vector<16xi32>
      %parallel_loop3A_69 = arith.addi %and3A_8, %parallel_loop3A_68 : vector<16xi32>
      %parallel_loop3A_70 = arith.select %parallel_loop3A_66, %parallel_loop3A_69, %and3A_8 : vector<16xi1>, vector<16xi32>
      %parallel_loop3A_71 = vector.shape_cast %parallel_loop3A_70 : vector<16xi32> to vector<16x1xi32>
      %parallel_loop3A_72 = vector.shape_cast %parallel_loop3A_71 : vector<16x1xi32> to vector<16xi32>
      %parallel_loop3A_73 = tpu.dynamic_gather %parallel_loop3A_52[%parallel_loop3A_72] in [0] : vector<16xi32>, vector<16xi32> -> vector<16xi32>
      %parallel_loop3A_74 = arith.select %lt3A_12, %parallel_loop3A_48, %parallel_loop3A_73 : vector<16xi1>, vector<16xi32>
      %parallel_loop3A_75 = arith.constant dense<true> : vector<16xi1>
      %parallel_loop3A_76, %parallel_loop3A_77, %parallel_loop3A_78 = tpu.sort %parallel_loop3A_63, %parallel_loop3A_74 masked %parallel_loop3A_75 {descending = true} : (vector<16xf32>, vector<16xi32>, vector<16xi1>) -> (vector<16xi1>, vector<16xf32>, vector<16xi32>)
      %parallel_loop3A_79 = arith.constant 8 : i32
      %parallel_loop3A_80 = arith.muli %parallel_loop3A_19, %parallel_loop3A_79 : i32
      %parallel_loop3A_81 = vector.broadcast %parallel_loop3A_80 : i32 to vector<16xi32>
      %parallel_loop3A_82 = arith.addi %parallel_loop3A_81, %iota3A : vector<16xi32>
      tpu.vector_store_idx %arg8[%parallel_loop3A_82], %parallel_loop3A_77 masked %lt3A_12 : memref<8192xf32, #tpu.memory_space<vmem>>[vector<16xi32>], vector<16xf32>, vector<16xi1>
      tpu.vector_store_idx %arg9[%parallel_loop3A_82], %parallel_loop3A_78 masked %lt3A_12 : memref<8192xi32, #tpu.memory_space<vmem>>[vector<16xi32>], vector<16xi32>, vector<16xi1>
    } {sc.loop_unroll_factor = 4 : i64, sc.parallel_access}
    %mul3A_15 = arith.constant 8 : i32
    %mul3A_16 = arith.muli %mul3A_2, %mul3A_15 : i32
    "tpu.region"() ({
      %run_scoped3A = tpu.sem_alloc : memref<!tpu.dma_semaphore, #tpu.memory_space<semaphore_mem>>
      %dma_start3A = tpu.memref_slice %arg4[%mul3A_16] : memref<262144xf32, #tpu.memory_space<hbm>> -> memref<8192xf32, #tpu.memory_space<hbm>>
      %dma_start3A_19 = tpu.memref_slice %arg4[%mul3A_16] : memref<262144xf32, #tpu.memory_space<hbm>> -> memref<8192xf32, #tpu.memory_space<hbm>>
      tpu.enqueue_dma source(%arg8 : memref<8192xf32, #tpu.memory_space<vmem>>) target(%dma_start3A_19 : memref<8192xf32, #tpu.memory_space<hbm>>) target_semaphore(%run_scoped3A : memref<!tpu.dma_semaphore, #tpu.memory_space<semaphore_mem>>)
      %dma_wait3A = tpu.memref_slice %arg4[%mul3A_16] : memref<262144xf32, #tpu.memory_space<hbm>> -> memref<8192xf32, #tpu.memory_space<hbm>>
      %dma_wait3A_20 = tpu.memref_slice %arg4[%mul3A_16] : memref<262144xf32, #tpu.memory_space<hbm>> -> memref<8192xf32, #tpu.memory_space<hbm>>
      tpu.wait_dma2 semaphore(%run_scoped3A : memref<!tpu.dma_semaphore, #tpu.memory_space<semaphore_mem>>) src(%arg8 : memref<8192xf32, #tpu.memory_space<vmem>>) dst(%dma_wait3A_20 : memref<8192xf32, #tpu.memory_space<hbm>>)
      tpu.yield
    }) : () -> ()
    %mul3A_17 = arith.constant 8 : i32
    %mul3A_18 = arith.muli %mul3A_2, %mul3A_17 : i32
    "tpu.region"() ({
      %run_scoped3A = tpu.sem_alloc : memref<!tpu.dma_semaphore, #tpu.memory_space<semaphore_mem>>
      %dma_start3A = tpu.memref_slice %arg5[%mul3A_18] : memref<262144xi32, #tpu.memory_space<hbm>> -> memref<8192xi32, #tpu.memory_space<hbm>>
      %dma_start3A_19 = tpu.memref_slice %arg5[%mul3A_18] : memref<262144xi32, #tpu.memory_space<hbm>> -> memref<8192xi32, #tpu.memory_space<hbm>>
      tpu.enqueue_dma source(%arg9 : memref<8192xi32, #tpu.memory_space<vmem>>) target(%dma_start3A_19 : memref<8192xi32, #tpu.memory_space<hbm>>) target_semaphore(%run_scoped3A : memref<!tpu.dma_semaphore, #tpu.memory_space<semaphore_mem>>)
      %dma_wait3A = tpu.memref_slice %arg5[%mul3A_18] : memref<262144xi32, #tpu.memory_space<hbm>> -> memref<8192xi32, #tpu.memory_space<hbm>>
      %dma_wait3A_20 = tpu.memref_slice %arg5[%mul3A_18] : memref<262144xi32, #tpu.memory_space<hbm>> -> memref<8192xi32, #tpu.memory_space<hbm>>
      tpu.wait_dma2 semaphore(%run_scoped3A : memref<!tpu.dma_semaphore, #tpu.memory_space<semaphore_mem>>) src(%arg9 : memref<8192xi32, #tpu.memory_space<vmem>>) dst(%dma_wait3A_20 : memref<8192xi32, #tpu.memory_space<hbm>>)
      tpu.yield
    }) : () -> ()
    return
  }
}

module attributes {stable_mosaic.version = 14 : i64} {
  func.func @_softmax_kernel(%arg0: i32, %arg1: memref<4096x768xf32, #tpu.memory_space<vmem>>, %arg2: memref<768x64xf32, #tpu.memory_space<vmem>>, %arg3: memref<4096x64xf32, #tpu.memory_space<vmem>>, %arg4: memref<4096x8xi32, #tpu.memory_space<vmem>>) attributes {dimension_semantics = [#tpu.dimension_semantics<arbitrary>], iteration_bounds = array<i64: 8>, scalar_prefetch = 0 : i64, scratch_operands = 0 : i64, tpu.core_type = #tpu.core_type<tc>, window_params = [{transform_indices = @transform_0, window_bounds = array<i64: 4096, 768>}, {pipeline_mode = #tpu.pipeline_mode<synchronous>, transform_indices = @transform_1, window_bounds = array<i64: 768, 64>}, {transform_indices = @transform_2, window_bounds = array<i64: 4096, 64>}, {transform_indices = @transform_3, window_bounds = array<i64: 4096, 8>}]} {
    %get3A = arith.constant 0 : index
    %get3A_0 = arith.constant 0 : index
    %get3A_1 = vector.load %arg1[%get3A, %get3A_0] : memref<4096x768xf32, #tpu.memory_space<vmem>>, vector<4096x768xf32>
    %get3A_2 = arith.constant 0 : index
    %get3A_3 = arith.constant 0 : index
    %get3A_4 = vector.load %arg2[%get3A_2, %get3A_3] : memref<768x64xf32, #tpu.memory_space<vmem>>, vector<768x64xf32>
    %dot_general3A = arith.constant dense<0.000000e+00> : vector<4096x64xf32>
    %dot_general3A_5 = tpu.matmul %get3A_1, %get3A_4, %dot_general3A {dimension_numbers = #tpu.dot_dimension_numbers<[1], [0], [0], [1], [0, 0, 1, 1], [], []>, transpose_lhs_hint = false} : vector<4096x768xf32>, vector<768x64xf32>, vector<4096x64xf32> -> vector<4096x64xf32>
    %transpose3A = tpu.transpose %dot_general3A_5, [1, 0] : vector<4096x64xf32> -> vector<64x4096xf32>
    %reduce_max3A = arith.constant dense<0xFF800000> : vector<4096xf32>
    %reduce_max3A_6 = vector.multi_reduction <maximumf>, %transpose3A, %reduce_max3A [0] : vector<64x4096xf32> to vector<4096xf32>
    %broadcast_in_dim3A = vector.shape_cast %reduce_max3A_6 : vector<4096xf32> to vector<1x4096xf32>
    %sub3A = vector.broadcast %broadcast_in_dim3A : vector<1x4096xf32> to vector<64x4096xf32>
    %sub3A_7 = arith.subf %transpose3A, %sub3A : vector<64x4096xf32>
    %exp3A = math.exp %sub3A_7 : vector<64x4096xf32>
    %reduce_sum3A = arith.constant dense<0.000000e+00> : vector<4096xf32>
    %reduce_sum3A_8 = vector.multi_reduction <add>, %exp3A, %reduce_sum3A [0] : vector<64x4096xf32> to vector<4096xf32>
    %broadcast_in_dim3A_9 = vector.shape_cast %reduce_sum3A_8 : vector<4096xf32> to vector<1x4096xf32>
    %div3A = vector.broadcast %broadcast_in_dim3A_9 : vector<1x4096xf32> to vector<64x4096xf32>
    %div3A_10 = arith.divf %exp3A, %div3A : vector<64x4096xf32>
    %transpose3A_11 = tpu.transpose %div3A_10, [1, 0] : vector<64x4096xf32> -> vector<4096x64xf32>
    %swap3A = arith.constant 0 : index
    %swap3A_12 = arith.constant 0 : index
    %swap3A_13 = vector.load %arg3[%swap3A, %swap3A_12] : memref<4096x64xf32, #tpu.memory_space<vmem>>, vector<4096x64xf32>
    tpu.vector_store %arg3[%swap3A, %swap3A_12], %transpose3A_11 {strides = array<i32>} : memref<4096x64xf32, #tpu.memory_space<vmem>>, vector<4096x64xf32>,
    %reshape3A = vector.shape_cast %div3A_10 : vector<64x4096xf32> to vector<8x8x4096xf32>
    %reduce_max3A_14 = arith.constant dense<0xFF800000> : vector<8x4096xf32>
    %reduce_max3A_15 = vector.multi_reduction <maximumf>, %reshape3A, %reduce_max3A_14 [1] : vector<8x8x4096xf32> to vector<8x4096xf32>
    %iota3A = tpu.iota {dimensions = array<i32: 0>} : vector<8x4096xi32>
    %reduce_max3A_16 = arith.constant dense<0xFF800000> : vector<4096xf32>
    %reduce_max3A_17 = vector.multi_reduction <maximumf>, %reduce_max3A_15, %reduce_max3A_16 [0] : vector<8x4096xf32> to vector<4096xf32>
    %broadcast_in_dim3A_18 = vector.shape_cast %reduce_max3A_17 : vector<4096xf32> to vector<1x4096xf32>
    %eq3A = vector.broadcast %broadcast_in_dim3A_18 : vector<1x4096xf32> to vector<8x4096xf32>
    %eq3A_19 = arith.cmpf oeq, %reduce_max3A_15, %eq3A : vector<8x4096xf32>
    %jit3A = arith.constant 8 : i32
    %broadcast_in_dim3A_20 = vector.broadcast %jit3A : i32 to vector<8x4096xi32>
    %select_n3A = arith.select %eq3A_19, %iota3A, %broadcast_in_dim3A_20 : vector<8x4096xi1>, vector<8x4096xi32>
    %reduce_min3A = arith.constant dense<2147483647> : vector<4096xi32>
    %reduce_min3A_21 = vector.multi_reduction <minsi>, %select_n3A, %reduce_min3A [0] : vector<8x4096xi32> to vector<4096xi32>
    %broadcast_in_dim3A_22 = vector.shape_cast %reduce_min3A_21 : vector<4096xi32> to vector<1x4096xi32>
    %eq3A_23 = vector.broadcast %broadcast_in_dim3A_22 : vector<1x4096xi32> to vector<8x4096xi32>
    %eq3A_24 = arith.cmpi eq, %iota3A, %eq3A_23 : vector<8x4096xi32>
    %jit3A_25 = arith.constant 0xFF800000 : f32
    %broadcast_in_dim3A_26 = vector.broadcast %jit3A_25 : f32 to vector<8x4096xf32>
    %select_n3A_27 = arith.select %eq3A_24, %broadcast_in_dim3A_26, %reduce_max3A_15 : vector<8x4096xi1>, vector<8x4096xf32>
    %reduce_max3A_28 = arith.constant dense<0xFF800000> : vector<4096xf32>
    %reduce_max3A_29 = vector.multi_reduction <maximumf>, %select_n3A_27, %reduce_max3A_28 [0] : vector<8x4096xf32> to vector<4096xf32>
    %broadcast_in_dim3A_30 = vector.shape_cast %reduce_max3A_29 : vector<4096xf32> to vector<1x4096xf32>
    %eq3A_31 = vector.broadcast %broadcast_in_dim3A_30 : vector<1x4096xf32> to vector<8x4096xf32>
    %eq3A_32 = arith.cmpf oeq, %select_n3A_27, %eq3A_31 : vector<8x4096xf32>
    %jit3A_33 = arith.constant 8 : i32
    %broadcast_in_dim3A_34 = vector.broadcast %jit3A_33 : i32 to vector<8x4096xi32>
    %select_n3A_35 = arith.select %eq3A_32, %iota3A, %broadcast_in_dim3A_34 : vector<8x4096xi1>, vector<8x4096xi32>
    %reduce_min3A_36 = arith.constant dense<2147483647> : vector<4096xi32>
    %reduce_min3A_37 = vector.multi_reduction <minsi>, %select_n3A_35, %reduce_min3A_36 [0] : vector<8x4096xi32> to vector<4096xi32>
    %broadcast_in_dim3A_38 = vector.shape_cast %reduce_min3A_37 : vector<4096xi32> to vector<1x4096xi32>
    %eq3A_39 = vector.broadcast %broadcast_in_dim3A_38 : vector<1x4096xi32> to vector<8x4096xi32>
    %eq3A_40 = arith.cmpi eq, %iota3A, %eq3A_39 : vector<8x4096xi32>
    %jit3A_41 = arith.constant 0xFF800000 : f32
    %broadcast_in_dim3A_42 = vector.broadcast %jit3A_41 : f32 to vector<8x4096xf32>
    %select_n3A_43 = arith.select %eq3A_40, %broadcast_in_dim3A_42, %select_n3A_27 : vector<8x4096xi1>, vector<8x4096xf32>
    %reduce_max3A_44 = arith.constant dense<0xFF800000> : vector<4096xf32>
    %reduce_max3A_45 = vector.multi_reduction <maximumf>, %select_n3A_43, %reduce_max3A_44 [0] : vector<8x4096xf32> to vector<4096xf32>
    %broadcast_in_dim3A_46 = vector.shape_cast %reduce_max3A_45 : vector<4096xf32> to vector<1x4096xf32>
    %eq3A_47 = vector.broadcast %broadcast_in_dim3A_46 : vector<1x4096xf32> to vector<8x4096xf32>
    %eq3A_48 = arith.cmpf oeq, %select_n3A_43, %eq3A_47 : vector<8x4096xf32>
    %jit3A_49 = arith.constant 8 : i32
    %broadcast_in_dim3A_50 = vector.broadcast %jit3A_49 : i32 to vector<8x4096xi32>
    %select_n3A_51 = arith.select %eq3A_48, %iota3A, %broadcast_in_dim3A_50 : vector<8x4096xi1>, vector<8x4096xi32>
    %reduce_min3A_52 = arith.constant dense<2147483647> : vector<4096xi32>
    %reduce_min3A_53 = vector.multi_reduction <minsi>, %select_n3A_51, %reduce_min3A_52 [0] : vector<8x4096xi32> to vector<4096xi32>
    %broadcast_in_dim3A_54 = vector.shape_cast %reduce_min3A_53 : vector<4096xi32> to vector<1x4096xi32>
    %eq3A_55 = vector.broadcast %broadcast_in_dim3A_54 : vector<1x4096xi32> to vector<8x4096xi32>
    %eq3A_56 = arith.cmpi eq, %iota3A, %eq3A_55 : vector<8x4096xi32>
    %jit3A_57 = arith.constant 0xFF800000 : f32
    %broadcast_in_dim3A_58 = vector.broadcast %jit3A_57 : f32 to vector<8x4096xf32>
    %select_n3A_59 = arith.select %eq3A_56, %broadcast_in_dim3A_58, %select_n3A_43 : vector<8x4096xi1>, vector<8x4096xf32>
    %reduce_max3A_60 = arith.constant dense<0xFF800000> : vector<4096xf32>
    %reduce_max3A_61 = vector.multi_reduction <maximumf>, %select_n3A_59, %reduce_max3A_60 [0] : vector<8x4096xf32> to vector<4096xf32>
    %broadcast_in_dim3A_62 = vector.shape_cast %reduce_max3A_61 : vector<4096xf32> to vector<1x4096xf32>
    %eq3A_63 = vector.broadcast %broadcast_in_dim3A_62 : vector<1x4096xf32> to vector<8x4096xf32>
    %eq3A_64 = arith.cmpf oeq, %select_n3A_59, %eq3A_63 : vector<8x4096xf32>
    %jit3A_65 = arith.constant 8 : i32
    %broadcast_in_dim3A_66 = vector.broadcast %jit3A_65 : i32 to vector<8x4096xi32>
    %select_n3A_67 = arith.select %eq3A_64, %iota3A, %broadcast_in_dim3A_66 : vector<8x4096xi1>, vector<8x4096xi32>
    %reduce_min3A_68 = arith.constant dense<2147483647> : vector<4096xi32>
    %reduce_min3A_69 = vector.multi_reduction <minsi>, %select_n3A_67, %reduce_min3A_68 [0] : vector<8x4096xi32> to vector<4096xi32>
    %broadcast_in_dim3A_70 = vector.shape_cast %reduce_min3A_69 : vector<4096xi32> to vector<1x4096xi32>
    %broadcast_in_dim3A_71 = arith.constant 0 : i32
    %broadcast_in_dim3A_72 = vector.broadcast %broadcast_in_dim3A_71 : i32 to vector<1x4096xi32>
    %concatenate3A = tpu.concatenate %broadcast_in_dim3A_22, %broadcast_in_dim3A_38, %broadcast_in_dim3A_54, %broadcast_in_dim3A_70, %broadcast_in_dim3A_72, %broadcast_in_dim3A_72, %broadcast_in_dim3A_72, %broadcast_in_dim3A_72 in 0 : vector<1x4096xi32>, vector<1x4096xi32>, vector<1x4096xi32>, vector<1x4096xi32>, vector<1x4096xi32>, vector<1x4096xi32>, vector<1x4096xi32>, vector<1x4096xi32> -> vector<8x4096xi32>
    %transpose3A_73 = tpu.transpose %concatenate3A, [1, 0] : vector<8x4096xi32> -> vector<4096x8xi32>
    %swap3A_74 = arith.constant 0 : index
    %swap3A_75 = arith.constant 0 : index
    %swap3A_76 = vector.load %arg4[%swap3A_74, %swap3A_75] : memref<4096x8xi32, #tpu.memory_space<vmem>>, vector<4096x8xi32>
    tpu.vector_store %arg4[%swap3A_74, %swap3A_75], %transpose3A_73 {strides = array<i32>} : memref<4096x8xi32, #tpu.memory_space<vmem>>, vector<4096x8xi32>,
    return
  }
  func.func @transform_0(%arg0: i32) -> (i32, i32) {
    %c0_i32 = arith.constant 0 : i32
    %c0_i32_0 = arith.constant 0 : i32
    return %arg0, %c0_i32 : i32, i32
  }
  func.func @transform_1(%arg0: i32) -> (i32, i32) {
    %c0_i32 = arith.constant 0 : i32
    %c0_i32_0 = arith.constant 0 : i32
    %c0_i32_1 = arith.constant 0 : i32
    return %c0_i32, %c0_i32_0 : i32, i32
  }
  func.func @transform_2(%arg0: i32) -> (i32, i32) {
    %c0_i32 = arith.constant 0 : i32
    %c0_i32_0 = arith.constant 0 : i32
    return %arg0, %c0_i32 : i32, i32
  }
  func.func @transform_3(%arg0: i32) -> (i32, i32) {
    %c0_i32 = arith.constant 0 : i32
    %c0_i32_0 = arith.constant 0 : i32
    return %arg0, %c0_i32 : i32, i32
  }
}

</mosaic_0001>

<sc_bundles>
// kernel: kernel.4.cloned.1.call-start
scs
__scs_entry_jumppad:
0x0: {  	(pc) =	sbr.rel $0x88, $3  }
0x1: {  	(tag) =	ssettag $0x0;
	lr =	simm.s32 $0x1  }
0x2: {  	[smem:$0x3F9F] =	sst lr;
	_ =	strace $0xD0000000  }
0x3: {  	_ = 	snop  }
0x4: {  	_ = 	snop  }
0x5: {  	_ = 	snop  }
0x6: {  	_ = 	snop  }
0x7: {  	_ = 	snop  }
__scs_overlays_trampoline_lowered:
0x8: {  	[smem:$0x3FAE] =	sst s0  }
0x9: {  	[smem:$0x3FAF] =	sst s1  }
0xa: {  	[smem:$0x3FB0] =	sst s2  }
0xb: {  	[smem:$0x3FB1] =	sst s3  }
0xc: {  	[smem:$0x3FB2] =	sst s4  }
0xd: {  	[smem:$0x3FB3] =	sst s5  }
0xe: {  	[smem:$0x3FB4] =	sst s6  }
0xf: {  	[smem:$0x3FB5] =	sst s7  }
0x10: {  	[smem:$0x3FB6] =	sst s8  }
0x11: {  	[smem:$0x3FB7] =	sst s9;
	s0 =	simm.s32 @!p0 $0x0  }
0x12: {  	s1 =	sld [smem:$0x3F9D];
	s0 =	simm.s32 @p0 $0x1  }
0x13: {  	[smem:$0x3FB8] =	sst s0;
	s0 =	simm.s32 @!p1 $0x0  }
0x14: {  	s2 =	sld [smem:$0x3F9C];
	s0 =	simm.s32 @p1 $0x1  }
0x15: {  	[smem:$0x3FB9] =	sst s0;
	s0 =	simm.s32 @!p2 $0x0  }
0x16: {  	s3 =	sld [smem:$0x3FDB];
	s0 =	simm.s32 @p2 $0x1  }
0x17: {  	s4 =	simm.s32 $0x1BF5;
	[smem:$0x3FBB] =	sst s0  }
0x18: {  	s0 =	sld [smem:$0x3F9E];
	_ =	swait.ge [sflag:s4], $0x0  }
0x19: {  	s7 =	sld [smem:$0x3F9F]  }
0x1a: {  	s8 =	sadd.s32 $0xFFFFE003, lr  }
0x1b: {  	s9 =	sadd.s32 $0xFFFFFEF7, lr;
	s5 =	simm.s32 $0xFFFFFFFF;
	p2 =	slt.u32 s8, $0xFFFFF086  }
0x1c: {  	p1 =	slt.u32 s9, $0xF7A;
	s5 =	simm.s32 @!p2 $0x0  }
0x1d: {  	s5 =	simm.s32 @p1 $0x1;
	p0 =	seq.s32 s7, s2  }
0x1e: {  	s7 =	smul.u32 @!p0 $0xF7A, s2;
	p2 =	seq.s32 @!p0 s5, $0x0  }
0x1f: {  	s9 =	smul.u32 $0xF7A, s1;
	s8 =	simm.s32 @!p0 $0x1BF5;
	p2 =	por !p2, p0  }
0x20: {  	[sflag:s8] =	ssyncset.s32 @!p0 $0xFFFFF086;
	s6 =	sadd.s32 @!p0 s3, s7;
	s7 =	simm.s32 @!p0 $0x108  }
0x21: {  	s3 =	sadd.s32 s3, s9;
	s6 =	sadd.s32 @!p0 $0x88, s6;
	s7 =	simm.s32 @p2 $0x1082  }
0x22: {  	[simem:s7], [sflag:s8] =	dma.local @!p0 [hbm:s6], $0xF7A  }
0x23: {  	s9 =	sor.u32 $0xD0000000, s2;
	s6 =	simm.s32 $0x108;
	_ =	swait.ge @!p0 [sflag:s8], $0x0  }
0x24: {  	s3 =	sadd.s32 $0x88, s3;
	s6 =	simm.s32 @!p1 $0x1082;
	[sflag:s4] =	ssyncset.s32 $0xFFFFF086  }
0x25: {  	[simem:s6], [sflag:s4] =	dma.local [hbm:s3], $0xF7A  }
0x26: {  	[smem:$0x3F9F] =	sst s1;
	(tag) =	ssettag s2;
	_ =	strace s9  }
0x27: {  	s1 =	sld [smem:$0x3FAF]  }
0x28: {  	s2 =	sld [smem:$0x3FB0]  }
0x29: {  	s4 =	sld [smem:$0x3FB2]  }
0x2a: {  	p0 =	seq.s32 s5, $0x0;
	s5 =	sld [smem:$0x3FB3]  }
0x2b: {  	s6 =	sld [smem:$0x3FB4]  }
0x2c: {  	s7 =	sld [smem:$0x3FB5]  }
0x2d: {  	s3 =	simm.s32 $0x108;
	s8 =	sld [smem:$0x3FB6]  }
0x2e: {  	s3 =	simm.s32 @!p0 $0x1082;
	s9 =	sld [smem:$0x3FB7]  }
0x2f: {  	lr =	sadd.s32 s0, s3;
	s0 =	sld [smem:$0x3FAE]  }
0x30: {  	s3 =	sld [smem:$0x3FB1]  }
0x31: {  	[smem:$0x3FBA] =	sst s10  }
0x32: {  	s10 =	sld [smem:$0x3FB8];
	_ =	sdelay $0x3  }
0x33: {  	p0 =	seq.s32 s10, $0x1;
	s10 =	sld [smem:$0x3FBA];
	_ =	sdelay $0x3  }
0x34: {  	[smem:$0x3FBA] =	sst s10  }
0x35: {  	s10 =	sld [smem:$0x3FB9];
	_ =	sdelay $0x3  }
0x36: {  	p1 =	seq.s32 s10, $0x1;
	s10 =	sld [smem:$0x3FBA];
	_ =	sdelay $0x3  }
0x37: {  	[smem:$0x3FBA] =	sst s10  }
0x38: {  	s10 =	sld [smem:$0x3FBB]  }
0x39: {  	_ = 	snop;
	(pc) =	sbr.ind lr, $3  }
0x3a: {  	_ = 	snop  }
0x3b: {  	_ = 	snop  }
0x3c: {  	p2 =	seq.s32 s10, $0x1;
	s10 =	sld [smem:$0x3FBA]  }
0x3d: {  	_ =	shalt  }
0x3e: {  	_ =	shalt  }
0x3f: {  	_ =	shalt  }
0x40: {  	_ =	shalt  }
0x41: {  	_ =	shalt  }
0x42: {  	_ =	shalt  }
0x43: {  	_ =	shalt  }
0x44: {  	_ =	shalt  }
0x45: {  	_ =	shalt  }
0x46: {  	_ =	shalt  }
0x47: {  	_ =	shalt  }
0x48: {  	_ =	shalt  }
0x49: {  	_ =	shalt  }
0x4a: {  	_ =	shalt  }
0x4b: {  	_ =	shalt  }
0x4c: {  	_ =	shalt  }
0x4d: {  	_ =	shalt  }
0x4e: {  	_ =	shalt  }
0x4f: {  	_ =	shalt  }
0x50: {  	_ =	shalt  }
0x51: {  	_ =	shalt  }
0x52: {  	_ =	shalt  }
0x53: {  	_ =	shalt  }
0x54: {  	_ =	shalt  }
0x55: {  	_ =	shalt  }
0x56: {  	_ =	shalt  }
0x57: {  	_ =	shalt  }
0x58: {  	_ =	shalt  }
0x59: {  	_ =	shalt  }
0x5a: {  	_ =	shalt  }
0x5b: {  	_ =	shalt  }
0x5c: {  	_ =	shalt  }
0x5d: {  	_ =	shalt  }
0x5e: {  	_ =	shalt  }
0x5f: {  	_ =	shalt  }
0x60: {  	_ =	shalt  }
0x61: {  	_ =	shalt  }
0x62: {  	_ =	shalt  }
0x63: {  	_ =	shalt  }
0x64: {  	_ =	shalt  }
0x65: {  	_ =	shalt  }
0x66: {  	_ =	shalt  }
0x67: {  	_ =	shalt  }
0x68: {  	_ =	shalt  }
0x69: {  	_ =	shalt  }
0x6a: {  	_ =	shalt  }
0x6b: {  	_ =	shalt  }
0x6c: {  	_ =	shalt  }
0x6d: {  	_ =	shalt  }
0x6e: {  	_ =	shalt  }
0x6f: {  	_ =	shalt  }
0x70: {  	_ =	shalt  }
0x71: {  	_ =	shalt  }
0x72: {  	_ =	shalt  }
0x73: {  	_ =	shalt  }
0x74: {  	_ =	shalt  }
0x75: {  	_ =	shalt  }
0x76: {  	_ =	shalt  }
0x77: {  	_ =	shalt  }
0x78: {  	_ =	shalt  }
0x79: {  	_ =	shalt  }
0x7a: {  	_ =	shalt  }
0x7b: {  	_ =	shalt  }
0x7c: {  	_ =	shalt  }
0x7d: {  	_ =	shalt  }
0x7e: {  	_ =	shalt  }
0x7f: {  	_ =	shalt  }
0x80: {  	_ =	shalt  }
0x81: {  	_ =	shalt  }
0x82: {  	_ =	shalt  }
0x83: {  	_ =	shalt  }
0x84: {  	_ =	shalt  }
0x85: {  	_ =	shalt  }
0x86: {  	_ =	shalt  }
0x87: {  	_ =	shalt  }
.Lfunc_end0:
.L_simem_size_0:
called_computation_lowered:
.L_overlay_start_0:
0x88: {  	s2 =	sld [smem:$0x3FD9]  }
0x89: {  	s3 =	sld [smem:$0x3FFE];
	_ =	sdelay $0x1  }
0x8a: {  	s1 =	srdreg.scid  }
0x8b: {  	s0 =	sand.u32 $0x1, s1  }
0x8c: {  	s14 =	sshll.u32 s0, $0xA;
	s2 =	sadd.s32 s3, s2  }
0x8d: {  	s2 =	sadd.s32 s2, s14  }
0x8e: {  	[smem:$0x3FC6] =	sst s2  }
0x8f: {  	_ = 	snop  }
0x90: {  	s2 =	sld [smem:$0x3FD0];
	_ =	sdelay $0x2  }
0x91: {  	s15 =	simm.s32 $0xA;
	s4 =	simm.s32 $0x10  }
0x92: {  	[smem:s4], [sflag:s15] =	dma.local [hbm:s2], $0x1  }
0x93: {  	_ =	swait.eq [sflag:s15], $0x1  }
0x94: {  	[sflag:s15] =	ssyncset.done $0x0  }
0x95: {  	s16 =	sld [smem:$0x10];
	[sflag:s15] =	ssyncadd.s32 $0xFFFFFFFF  }
0x96: {  	s17 =	sld [smem:$0x11];
	(tm) =	ssettm $0x1  }
0x97: {  	s18 =	sld [smem:$0x3FFB];
	_ =	sdelay $0x3  }
0x98: {  	_ =	strace s18  }
0x99: {  	s4 =	sld [smem:$0x3FFC];
	_ =	sdelay $0x3  }
0x9a: {  	_ =	strace s4  }
0x9b: {  	s4 =	sld [smem:$0x3FFD];
	_ =	sdelay $0x3  }
0x9c: {  	_ =	strace s4  }
0x9d: {  	_ =	strace $0x8FFFFFFF  }
0x9e: {  	s19 =	sld [smem:$0x3FDB];
	_ =	sdelay $0x1  }
0x9f: {  	s5 =	simm.s32 $_scs_section_size  }
0xa0: {  	s6 =	simm.s32 $_size__tile_overlayer_lowered;
	s7 =	simm.s32 $_tile_overlayer_lowered  }
0xa1: {  	s22 =	simm.s32 $0x1BFF;
	s21 =	sshll.u32 s7, $0x1;
	s4 =	sadd.s32 s5, s19  }
0xa2: {  	s8 =	simm.s32 $0x0;
	s20 =	sshll.u32 s6, $0x1;
	s6 =	sadd.s32 s21, s4  }
0xa3: {  	[timem:s8], [sflag:s22] =	dma.local [hbm:s6], s20  }
0xa4: {  	_ =	swait.ge [sflag:s22], s20  }
0xa5: {  	s5 =	ssub.s32 $0x0, s20;
	[sflag:s22] =	ssyncset.done $0x0  }
0xa6: {  	[sflag:s22] =	ssyncadd.s32 s5;
	_ =	sdelay $0x1  }
0xa7: {  	s23 =	simm.s32 $0x1B8B  }
0xa8: {  	_ =	swait.ge [sflag:s23], $0x1  }
0xa9: {  	[sflag:s23] =	ssyncset.done $0x0  }
0xaa: {  	s25 =	simm.s32 $0x1B8E;
	s24 =	sld [smem:$0x3FFE];
	[sflag:s23] =	ssyncadd.s32 $0xFFFFFFFF  }
0xab: {  	s26 =	simm.s32 $execute0_lowered;
	[smem:$0x3FD2] =	sst s25  }
0xac: {  	s6 =	sshll.u32 s26, $0x1;
	_ =	strace $0x80000046;
	[dreg:$0x1] =	wrdreg $0xFFFFFFFF  }
0xad: {  	s28 =	simm.s32 $_size_execute0_lowered;
	s4 =	sadd.s32 s4, s6;
	[dreg:$0x0] =	wrdreg $0x0  }
0xae: {  	s6 =	sshll.u32 s28, $0x1;
	[dreg:$0x2] =	wrdreg s4  }
0xaf: {  	[dreg:$0x3] =	wrdreg s6  }
0xb0: {  	[dreg:$0x4] =	wrdreg $0xC0  }
0xb1: {  	_ =	task [dreg:s8], $0x5FFFF  }
0xb2: {  	[dreg:$0x1] =	wrdreg $0xFFFFFFFF  }
0xb3: {  	[dreg:$0x0] =	wrdreg $0x60  }
0xb4: {  	[dreg:$0x2] =	wrdreg s24  }
0xb5: {  	[dreg:$0x3] =	wrdreg s17  }
0xb6: {  	[dreg:$0x4] =	wrdreg s16  }
0xb7: {  	[dreg:$0x5] =	wrdreg $0x9  }
0xb8: {  	_ =	task.clear_ibuf [dreg:s8], $0x6FFFF;
	_ =	strace $0x90000046  }
0xb9: {  	s29 =	simm.s32 $0x9;
	_ =	strace $0x80000048  }
0xba: {  	_ =	swait.ge [sflag:s29], $0x1  }
0xbb: {  	[sflag:s29] =	ssyncadd.s32 $0xFFFFFFFF  }
0xbc: {  	_ =	strace $0x90000048  }
0xbd: {  	_ =	sfence  }
0xbe: {  	s30 =	sld [smem:$0x0];
	_ =	sdelay $0x2  }
0xbf: {  	s31 =	sshll.u32 s1, $0xD;
	s1 =	sshrl.u32 s1, $0x2  }
0xc0: {  	s3 =	sand.u32 $0x4000, s31;
	s1 =	sadd.s32 s1, s30  }
0xc1: {  	s0 =	sor.u32 s3, s0;
	s1 =	sshll.u32 s1, $0x11  }
0xc2: {  	s0 =	sor.u32 s1, s0  }
0xc3: {  	s0 =	sadd.s32 $0x8F2B, s0  }
0xc4: {  	[sflag:s0] =	ssyncadd.remote.s32 $0x1  }
0xc5: {  	_ =	sfence.sel $0xFFFF  }
0xc6: {  	[dreg:$0x0] =	wrdreg $0xFFFFFFFF;
	(pc) =	sbr.abs _section_cstart, $3  }
0xc7: {  	[dreg:$0x1] =	wrdreg $0xFFFFFFFF  }
0xc8: {  	_ =	task.clear_ibuf [dreg:s8], $0x2FFFF;
	_ =	strace $0x9FFFFFFF  }
0xc9: {  	(tm) =	ssettm $0x7FFFFFFF  }
tec
execute0_lowered:
.L_overlay_start_1:
0x0: {  	(tag) =	ssettag $0x1  }
0x1: {  	s3 =	rddreg [dreg:$0x0]  }
0x2: {  	s4 =	rddreg [dreg:$0x1]  }
0x3: {  	s5 =	rddreg [dreg:$0x2]  }
0x4: {  	s0 =	rddreg [dreg:$0x3];
	s6 =	srdreg.scid  }
0x5: {  	s1 =	stileid.u32;
	s2 =	simm.s32 $0x0;
	s11 =	simm.s32 $0x14000  }
0x6: {  	s6 =	sand.u32 $0x1, s6;
	s7 =	sshll.u32 s1, $0x1;
	[smem:$0x7FF] =	sst s2  }
0x7: {  	s12 =	simm.s32 $0x0;
	s7 =	sor.u32 s6, s7;
	_ =	strace $0x80000047  }
0x8: {  	s6 =	ssub.s32 $0x2, s6;
	s8 =	sshll.u32 s7, $0xD;
	s7 =	sshll.u32 s7, $0xA  }
0x9: {  	s9 =	sshrl.u32 s6, $0x1;
	s8 =	sadd.s32 s8, s3;
	s10 =	sadd.s32 s7, s3  }
0xa: {  	v0 =	vlaneseq.u32;
	s9 =	ssub.s32 s6, s9;
	s4 =	sadd.s32 s4, s7;
	s5 =	sadd.s32 s5, s7  }
0xb: {  	v1 =	vshrl.u32 v0, $0x3;
	s3 =	sadd.s32 $0x80C00, s8;
	s6 =	sadd.s32 $0xC00, s10;
	s7 =	smax.u32 s9, $0x1  }
0xc: {  	vm0 =	vmmov $0xff;
	v3 =	vand.u32 $0x7, v0;
	v2 =	vor.u32 $0x2, v1;
	s8 =	simm.s32 $0x1;
	s9 =	simm.s32 $0x10000;
	s10 =	simm.s32 $0x12000  }
.LBB2_1:
0xd: {  	[tilespmem:s2], [sflag:$0x1] =	stream.linear.gather [hbm4b:s3+s2], $0x10000, $0x38;
	[tilespmem:$0x16000] =	vst v63  }
0xe: {  	_ =	swait.ge [sflag:s8], $0x10000  }
0xf: {  	s23 =	simm.s32 $0x18;
	[sflag:s8] =	ssyncset.done $0x0  }
0x10: {  	s22 =	simm.s32 $0x8;
	s24 =	simm.s32 $0x10;
	v4 =	vor.u32 s23, v2;
	[sflag:s8] =	ssyncadd.s32 $0xFFFF0000  }
0x11: {  	v5 =	vor.u32 s22, v2;
	[tilespmem:s9], [sflag:$0x1] =	stream.linear.gather [hbm4b:s4+s2], $0x2000, $0x38;
	[tilespmem:$0x16000] =	vst v63  }
0x12: {  	v7 =	vor.u32 s24, v1;
	_ =	swait.ge [sflag:s8], $0x2000  }
0x13: {  	v6 =	vor.u32 s24, v2;
	[sflag:s8] =	ssyncset.done $0x0  }
0x14: {  	v8 =	vor.u32 s23, v1;
	[sflag:s8] =	ssyncadd.s32 $0xFFFFE000  }
0x15: {  	v4 =	vld.idx.msk [tilespmem:v4+s9+$0x0], $0xffff  }
0x16: {  	s20 =	simm.s32 $0x0;
	v5 =	vld.idx.msk [tilespmem:v5+s9+$0x0], $0xffff  }
0x17: {  	v9 =	vor.u32 s20, v1;
	v7 =	vld.idx.msk [tilespmem:v7+s9+$0x0], $0xffff  }
0x18: {  	v10 =	vor.u32 s20, v2;
	v6 =	vld.idx.msk [tilespmem:v6+s9+$0x0], $0xffff  }
0x19: {  	s14 =	simm.s32 $0x38;
	v12 =	vor.u32 s22, v1;
	v8 =	vld.idx.msk [tilespmem:v8+s9+$0x0], $0xffff  }
0x1a: {  	s13 =	simm.s32 $0x28;
	v14 =	vor.u32 s14, v2;
	v4 =	vshll.u32 v4, $0x3  }
0x1b: {  	s16 =	simm.s32 $0xC0;
	v17 =	vor.u32 s13, v2;
	v5 =	vshll.u32 v5, $0x3;
	v4 =	vor.u32 v3, v4  }
0x1c: {  	s17 =	simm.s32 $0x40;
	v9 =	vld.idx.msk [tilespmem:v9+s9+$0x0], $0xffff;
	v7 =	vshll.u32 v7, $0x3;
	v5 =	vor.u32 v3, v5;
	v11 =	vadd.s32 s16, v4  }
0x1d: {  	s15 =	simm.s32 $0x80;
	v10 =	vld.idx.msk [tilespmem:v10+s9+$0x0], $0xffff;
	v6 =	vshll.u32 v6, $0x3;
	v7 =	vor.u32 v3, v7;
	v13 =	vadd.s32 s17, v5  }
0x1e: {  	v12 =	vld.idx.msk [tilespmem:v12+s9+$0x0], $0xffff;
	v8 =	vshll.u32 v8, $0x3;
	v6 =	vor.u32 v3, v6;
	v16 =	vadd.s32 s15, v7  }
0x1f: {  	v14 =	vld.idx.msk [tilespmem:v14+s9+$0x0], $0xffff;
	v8 =	vor.u32 v3, v8;
	v15 =	vadd.s32 s15, v6  }
0x20: {  	v17 =	vld.idx.msk [tilespmem:v17+s9+$0x0], $0xffff;
	s15 =	simm.s32 $0x30;
	v20 =	vadd.s32 s16, v8  }
0x21: {  	v18 =	vor.u32 s15, v1;
	v11 =	vld.idx.msk [tilespmem:v11+s2+$0x0], $0xffff  }
0x22: {  	v19 =	vor.u32 s15, v2;
	v13 =	vld.idx.msk [tilespmem:v13+s2+$0x0], $0xffff  }
0x23: {  	s19 =	simm.s32 $0x20;
	v16 =	vld.idx.msk [tilespmem:v16+s2+$0x0], $0xffff  }
0x24: {  	v21 =	vor.u32 s19, v1;
	v15 =	vld.idx.msk [tilespmem:v15+s2+$0x0], $0xffff  }
0x25: {  	v22 =	vor.u32 s14, v1;
	v12 =	vshll.u32 v12, $0x3;
	v20 =	vld.idx.msk [tilespmem:v20+s2+$0x0], $0xffff  }
0x26: {  	v23 =	vor.u32 s19, v2;
	v14 =	vshll.u32 v14, $0x3;
	v12 =	vor.u32 v3, v12;
	v18 =	vld.idx.msk [tilespmem:v18+s9+$0x0], $0xffff;
	(xrf1) =	vsort.dscd.msk.f32 $0xffff, v11, v4  }
0x27: {  	s26 =	simm.s32 $0x1C0;
	v14 =	vor.u32 v3, v14;
	v24 =	vadd.s32 s17, v12;
	v19 =	vld.idx.msk [tilespmem:v19+s9+$0x0], $0xffff  }
0x28: {  	v9 =	vshll.u32 v9, $0x3;
	v4 =	vadd.s32 s26, v14;
	(xrf1) =	vsort.dscd.msk.f32 $0xffff, v16, v7  }
0x29: {  	s29 =	simm.s32 $0x0;
	v21 =	vld.idx.msk [tilespmem:v21+s9+$0x0], $0xffff;
	v9 =	vor.u32 v3, v9;
	v11 =	vor.u32 s13, v1;
	v7 =	vshll.u32 v17, $0x3;
	(xrf1) =	vsort.dscd.msk.f32 $0xffff, v15, v6  }
0x2a: {  	s25 =	simm.s32 $0x140;
	s17 =	simm.s32 $0x58;
	v16 =	vadd.s32 s29, v9;
	v17 =	vld.idx.msk [tilespmem:v22+s9+$0x0], $0xffff;
	v6 =	vor.u32 v3, v7  }
0x2b: {  	v22 =	vor.u32 s17, v2;
	v7 =	vshll.u32 v10, $0x3;
	v10 =	vld.idx.msk [tilespmem:v23+s9+$0x0], $0xffff;
	(xrf1) =	vsort.dscd.msk.f32 $0xffff, v13, v5;
	v5 =	vadd.s32 s25, v6  }
0x2c: {  	v15 =	vld.idx.msk [tilespmem:v24+s2+$0x0], $0xffff;
	v13 =	vshll.u32 v19, $0x3;
	v7 =	vor.u32 v3, v7;
	(xrf1) =	vsort.dscd.msk.f32 $0xffff, v20, v8;
	v8 =	vshll.u32 v18, $0x3  }
0x2d: {  	s18 =	simm.s32 $0x180;
	v13 =	vor.u32 v3, v13;
	v18 =	vadd.s32 s29, v7;
	v8 =	vor.u32 v3, v8;
	v4 =	vld.idx.msk [tilespmem:v4+s2+$0x0], $0xffff  }
0x2e: {  	v19 =	vadd.s32 s18, v13;
	v11 =	vld.idx.msk [tilespmem:v11+s9+$0x0], $0xffff;
	v20 =	vadd.s32 s18, v8;
	s18 =	simm.s32 $0x50  }
0x2f: {  	v16 =	vld.idx.msk [tilespmem:v16+s2+$0x0], $0xffff;
	v23 =	vor.u32 s18, v1  }
0x30: {  	s16 =	simm.s32 $0x48;
	v22 =	vld.idx.msk [tilespmem:v22+s9+$0x0], $0xffff  }
0x31: {  	v24 =	vld.idx.msk [tilespmem:v5+s2+$0x0], $0xffff;
	v5 =	vshll.u32 v17, $0x3;
	v17 =	vor.u32 s16, v2  }
0x32: {  	v28 =	vor.u32 s18, v2;
	v18 =	vld.idx.msk [tilespmem:v18+s2+$0x0], $0xffff  }
0x33: {  	v25 =	vor.u32 v3, v5;
	v19 =	vld.idx.msk [tilespmem:v19+s2+$0x0], $0xffff  }
0x34: {  	(xrf1) =	vsort.dscd.msk.f32 $0xffff, v15, v12;
	v27 =	vadd.s32 s26, v25;
	v12 =	vld.idx.msk [tilespmem:v23+s9+$0x0], $0xffff;
	v23, v29, _ =	vpop (xrf1)  }
0x35: {  	s21 =	simm.s32 $0x40;
	v20 =	vld.idx.msk [tilespmem:v20+s2+$0x0], $0xffff;
	(xrf1) =	vsort.dscd.msk.f32 $0xffff, v16, v9  }
0x36: {  	v26 =	vor.u32 s21, v1;
	v9 =	vld.idx.msk [tilespmem:v17+s9+$0x0], $0xffff;
	v16 =	vperm.xlane v23, v3;
	v17, v23, _ =	vpop (xrf1);
	(xrf1) =	vsort.dscd.msk.f32 $0xffff, v4, v14  }
0x37: {  	v28 =	vld.idx.msk [tilespmem:v28+s9+$0x0], $0xffff;
	v4 =	vperm.xlane v29, v3;
	v29, v31, _ =	vpop (xrf1);
	(xrf1) =	vsort.dscd.msk.f32 $0xffff, v18, v7  }
0x38: {  	v30 =	vor.u32 s17, v1;
	v15 =	vshll.u32 v21, $0x3  }
0x39: {  	v21 =	vor.u32 s21, v2;
	v11 =	vshll.u32 v11, $0x3;
	v22 =	vshll.u32 v22, $0x3;
	v27 =	vld.idx.msk [tilespmem:v27+s2+$0x0], $0xffff  }
0x3a: {  	v15 =	vor.u32 v3, v15;
	v11 =	vor.u32 v3, v11;
	v22 =	vor.u32 v3, v22  }
0x3b: {  	v34 =	vadd.s32 s25, v11;
	v14 =	vld.idx.msk [tilespmem:v26+s9+$0x0], $0xffff;
	v26 =	vor.u32 s16, v1;
	v7 =	vperm.xlane v29, v3;
	(xrf1) =	vsort.dscd.msk.f32 $0xffff, v20, v8  }
0x3c: {  	s29 =	simm.s32 $0x100;
	v31 =	vperm.xlane v31, v3;
	v9 =	vshll.u32 v9, $0x3;
	v20 =	vshll.u32 v28, $0x3;
	v18, v29, _ =	vpop (xrf1);
	(xrf1) =	vsort.dscd.msk.f32 $0xffff, v19, v13  }
0x3d: {  	v13 =	vadd.s32 s29, v15;
	v19 =	vor.u32 v3, v9;
	v7 =	vsel vm0, v17, v7;
	(xrf1) =	vsort.dscd.msk.f32 $0xffff, v24, v6  }
0x3e: {  	s30 =	simm.s32 $0x2C0;
	v32, v33, _ =	vpop (xrf1);
	v17 =	vld.idx.msk [tilespmem:v30+s9+$0x0], $0xffff;
	v6 =	vsel vm0, v23, v31;
	v24 =	vor.u32 v3, v20;
	(xrf1) =	vsort.dscd.msk.f32 $0xffff, v27, v25  }
0x3f: {  	s28 =	simm.s32 $0x280;
	v8 =	vsel vm0, v32, v16;
	v16 =	vadd.s32 s30, v22;
	(xrf1) =	vsort.dscd.msk.f32 $0xffff, v7, v6;
	v7 =	vshll.u32 v12, $0x3  }
0x40: {  	s25 =	simm.s32 $0x240;
	v18 =	vperm.xlane v18, v3;
	v12 =	vld.idx.msk [tilespmem:v34+s2+$0x0], $0xffff;
	v25 =	vor.u32 v3, v7;
	v7 =	vadd.s32 s28, v24  }
0x41: {  	v21 =	vld.idx.msk [tilespmem:v21+s9+$0x0], $0xffff;
	v9 =	vshll.u32 v10, $0x3;
	v10 =	vadd.s32 s25, v19  }
0x42: {  	v23 =	vor.u32 v3, v9;
	v4 =	vsel vm0, v33, v4;
	v20 =	vld.idx.msk [tilespmem:v26+s9+$0x0], $0xffff;
	v26 =	vperm.xlane v29, v3;
	v28, v29, _ =	vpop (xrf1)  }
0x43: {  	v5 =	vor.u32 s20, v0;
	v9 =	vadd.s32 s29, v23;
	s29 =	simm.s32 $0x60;
	(xrf1) =	vsort.dscd.msk.f32 $0xffff, v8, v4;
	v13 =	vld.idx.msk [tilespmem:v13+s2+$0x0], $0xffff;
	v17 =	vshll.u32 v17, $0x3;
	v56, v57, _ =	vpop (xrf1)  }
0x44: {  	s20 =	simm.s32 $0x78;
	v26 =	vsel vm0, v29, v26;
	v29 =	vor.u32 s29, v1;
	v16 =	vld.idx.msk [tilespmem:v16+s2+$0x0], $0xffff;
	v31 =	vor.u32 v3, v17;
	v37, v38, _ =	vpop (xrf1)  }
0x45: {  	v6 =	vor.u32 s19, v0;
	s19 =	simm.s32 $0x68;
	v17 =	vor.u32 s20, v2;
	(xrf1) =	vsort.dscd.msk.f32 $0xffff, v12, v11;
	v39 =	vld.idx.msk [tilespmem:v7+s2+$0x0], $0xffff;
	v7 =	vsel vm0, v28, v18;
	v11, v18, _ =	vpop (xrf1)  }
0x46: {  	v21 =	vshll.u32 v21, $0x3;
	v30 =	vor.u32 s19, v2;
	v11 =	vperm.xlane v11, v3  }
0x47: {  	v4 =	vor.u32 s21, v0;
	v8 =	vshll.u32 v14, $0x3;
	s21 =	simm.s32 $0x70;
	v14 =	vadd.s32 s28, v25;
	v55 =	vld.idx.msk [tilespmem:v10+s2+$0x0], $0xffff  }
0x48: {  	v41 =	vor.u32 s24, v0;
	v21 =	vor.u32 v3, v21;
	v35 =	vor.u32 s21, v1;
	v36 =	vld.idx.msk [tilespmem:v9+s2+$0x0], $0xffff;
	(xrf1) =	vsort.dscd.msk.f32 $0xffff, v7, v26  }
0x49: {  	v27 =	vor.u32 s29, v2;
	v10 =	vor.u32 s21, v2;
	v28 =	vadd.s32 s30, v31;
	v29 =	vld.idx.msk [tilespmem:v29+s9+$0x0], $0xffff;
	(xrf1) =	vsort.dscd.msk.f32 $0xffff, v13, v15;
	v13, v40, _ =	vpop (xrf1)  }
0x4a: {  	v59 =	vld.idx.msk [tilespmem:v17+s9+$0x0], $0xffff;
	(xrf1) =	vsort.dscd.msk.f32 $0xffff, v16, v22;
	v18 =	vperm.xlane v18, v3;
	v7 =	vsel vm0, v56, v11;
	v11, v16, _ =	vpop (xrf1)  }
0x4b: {  	v8 =	vor.u32 v3, v8;
	v9 =	vor.u32 s19, v1;
	v22 =	vld.idx.msk [tilespmem:v30+s9+$0x0], $0xffff;
	v30 =	vperm.xlane v11, v3  }
0x4c: {  	s30 =	simm.s32 $0x200;
	v14 =	vld.idx.msk [tilespmem:v14+s2+$0x0], $0xffff;
	v26 =	vor.u32 s20, v1;
	v12 =	vperm.xlane v37, v3;
	v18 =	vsel vm0, v57, v18  }
0x4d: {  	v35 =	vld.idx.msk [tilespmem:v35+s9+$0x0], $0xffff;
	v15 =	vadd.s32 s30, v8;
	v58 =	vperm.xlane v38, v3;
	(xrf1) =	vsort.dscd.msk.f32 $0xffff, v7, v18;
	v18 =	vshll.u32 v20, $0x3  }
0x4e: {  	v42 =	vld.idx.msk [tilespmem:v10+s9+$0x0], $0xffff;
	v7 =	vor.u32 s29, v0;
	v20 =	vor.u32 v3, v18;
	v17, v60, _ =	vpop (xrf1);
	v11 =	vadd.s32 s23, v0;
	(xrf1) =	vsort.dscd.msk.f32 $0xffff, v36, v23  }
0x4f: {  	v28 =	vld.idx.msk [tilespmem:v28+s2+$0x0], $0xffff;
	v10 =	vshll.u32 v59, $0x3;
	v61 =	vperm.xlane v16, v3;
	v63 =	vadd.s32 s25, v20;
	v16, v23, _ =	vpop (xrf1)  }
0x50: {  	v18 =	vor.u32 v3, v10;
	v13 =	vsel vm0, v13, v30;
	v62 =	vsel vm0, v16, v12;
	v12, v30, _ =	vpop (xrf1)  }
0x51: {  	v10 =	vshll.u32 v22, $0x3;
	(xrf1) =	vsort.dscd.msk.f32 $0xffff, v14, v25;
	[tilespmem:v41+s10+$0x0] =	vst.idx.msk $0xff, v12;
	v12 =	vadd.s32 s22, v0;
	s22 =	simm.s32 $0x3C0  }
0x52: {  	v22 =	vshll.u32 v29, $0x3;
	v37 =	vsel vm0, v23, v58;
	v23 =	vld.idx.msk [tilespmem:v26+s9+$0x0], $0xffff;
	v43, v16, _ =	vpop (xrf1);
	(xrf1) =	vsort.dscd.msk.f32 $0xffff, v39, v24;
	v26 =	vadd.s32 s22, v18  }
0x53: {  	v29 =	vshll.u32 v35, $0x3;
	v10 =	vor.u32 v3, v10;
	[tilespmem:v11+s10+$0x0] =	vst.idx.msk $0xff, v43;
	(xrf1) =	vsort.dscd.msk.f32 $0xffff, v55, v19  }
0x54: {  	s23 =	simm.s32 $0x340;
	v14 =	vsel vm0, v40, v61;
	[tilespmem:v41+s11+$0x0] =	vst.idx.msk $0xff, v30;
	v19 =	vld.idx.msk [tilespmem:v27+s9+$0x0], $0xffff;
	(xrf1) =	vsort.dscd.msk.f32 $0xffff, v28, v31  }
0x55: {  	v24 =	vadd.s32 s23, v10;
	v27 =	vld.idx.msk [tilespmem:v63+s2+$0x0], $0xffff;
	v28 =	vperm.xlane v60, v3;
	v31 =	vshll.u32 v42, $0x3;
	(xrf1) =	vsort.dscd.msk.f32 $0xffff, v13, v14  }
0x56: {  	s31 =	simm.s32 $0x380;
	s24 =	simm.s32 $0xC;
	s25 =	simm.s32 $0x98;
	v25, v30, _ =	vpop (xrf1);
	v14 =	vor.u32 v3, v29;
	v13 =	vor.u32 v3, v31;
	v29 =	vadd.s32 s30, v21;
	(xrf1) =	vsort.dscd.msk.f32 $0xffff, v62, v37  }
.LBB2_2:
0x57: {  	s29 =	sadd.s32 $0xFFFFFFE8, s25;
	s26 =	sadd.s32 $0xFFFFFFF0, s25;
	s30 =	sadd.s32 $0xFFFFFFF8, s25;
	v31 =	vadd.s32 s31, v14;
	v32 =	vadd.s32 s31, v13;
	v23 =	vshll.u32 v23, $0x3;
	v26 =	vld.idx.msk [tilespmem:v26+s2+$0x0], $0xffff;
	[tilespmem:v11+s11+$0x0] =	vst.idx.msk $0xff, v16;
	v33 =	vmovc v7  }
0x58: {  	s24 =	sadd.s32 $0x4, s24;
	v34 =	vor.u32 s29, v2;
	v11 =	vor.u32 s26, v2;
	v16 =	vld.idx.msk [tilespmem:v9+s9+$0x0], $0xffff;
	v35 =	vor.u32 v3, v23;
	v7, v9, _ =	vpop (xrf1)  }
0x59: {  	v36 =	vor.u32 s25, v2;
	v23 =	vor.u32 s30, v2;
	p0 =	slt.u32 s24, $0x3FC;
	v37 =	vld.idx.msk [tilespmem:v15+s2+$0x0], $0xffff;
	v15 =	vsel vm0, v30, v28;
	v28, v30, _ =	vpop (xrf1);
	[tilespmem:v12+s10+$0x0] =	vst.idx.msk $0xff, v7  }
0x5a: {  	v17 =	vperm.xlane v17, v3;
	v38 =	vor.u32 s29, v1;
	v7 =	vor.u32 s30, v1;
	v24 =	vld.idx.msk [tilespmem:v24+s2+$0x0], $0xffff;
	v39, v40, _ =	vpop (xrf1);
	[tilespmem:v12+s11+$0x0] =	vst.idx.msk $0xff, v9  }
0x5b: {  	v41 =	vor.u32 s25, v1;
	v9 =	vor.u32 s26, v1;
	v12 =	vor.u32 v3, v22;
	v22 =	vld.idx.msk [tilespmem:v29+s2+$0x0], $0xffff;
	(xrf1) =	vsort.dscd.msk.f32 $0xffff, v27, v20;
	v20, v27, _ =	vpop (xrf1)  }
0x5c: {  	v17 =	vsel vm0, v25, v17;
	v29 =	vld.idx.msk [tilespmem:v32+s2+$0x0], $0xffff;
	v32 =	vperm.xlane v39, v3;
	v25, v39, _ =	vpop (xrf1);
	[tilespmem:v5+s10+$0x0] =	vst.idx.msk $0xff, v20  }
0x5d: {  	v42 =	vmovc v19;
	v40 =	vperm.xlane v40, v3;
	v20 =	vadd.s32 s22, v35;
	v31 =	vld.idx.msk [tilespmem:v31+s2+$0x0], $0xffff;
	v25 =	vperm.xlane v25, v3  }
0x5e: {  	s28 =	sadd.s32 $0xFFFFFF40, s22;
	v19 =	vld.idx.msk [tilespmem:v36+s9+$0x0], $0xffff;
	v36 =	vperm.xlane v39, v3;
	(xrf1) =	vsort.dscd.msk.f32 $0xffff, v17, v15;
	[tilespmem:v5+s11+$0x0] =	vst.idx.msk $0xff, v27  }
0x5f: {  	v15 =	vadd.s32 s28, v12;
	v27 =	vld.idx.msk [tilespmem:v7+s9+$0x0], $0xffff;
	(xrf1) =	vsort.dscd.msk.f32 $0xffff, v37, v8;
	v37, v39, _ =	vpop (xrf1);
	v43 =	vsel vm0, v28, v25;
	v25 =	vor.u32 s15, v0;
	s15 =	smov.u32 s18;
	s18 =	smov.u32 s21;
	s21 =	smov.u32 s30  }
0x60: {  	v7 =	vor.u32 s29, v0;
	v8 =	vmov v12;
	v28 =	vld.idx.msk [tilespmem:v11+s9+$0x0], $0xffff;
	(xrf1) =	vsort.dscd.msk.f32 $0xffff, v26, v18;
	v11, v18, _ =	vpop (xrf1);
	v26 =	vsel vm0, v30, v36  }
0x61: {  	v5 =	vmov v6;
	v30 =	vld.idx.msk [tilespmem:v38+s9+$0x0], $0xffff;
	v36 =	vperm.xlane v11, v3;
	v17, v38, _ =	vpop (xrf1);
	v11 =	vadd.s32 s14, v0;
	(xrf1) =	vsort.dscd.msk.f32 $0xffff, v43, v26;
	s14 =	smov.u32 s17;
	s17 =	smov.u32 s20;
	s20 =	smov.u32 s25  }
0x62: {  	v44 =	vshll.u32 v16, $0x3;
	v12 =	vadd.s32 s13, v0;
	s13 =	smov.u32 s16;
	s16 =	smov.u32 s19;
	s19 =	smov.u32 s26;
	v26 =	vperm.xlane v18, v3;
	v43 =	vld.idx.msk [tilespmem:v20+s2+$0x0], $0xffff;
	(xrf1) =	vsort.dscd.msk.f32 $0xffff, v22, v21;
	v16, v18, _ =	vpop (xrf1)  }
0x63: {  	s22 =	sadd.s32 $0x100, s22;
	v20 =	vor.u32 v3, v44;
	v21 =	vld.idx.msk [tilespmem:v23+s9+$0x0], $0xffff;
	v36 =	vsel vm0, v37, v36;
	v32 =	vsel vm0, v16, v32;
	v6, v37, _ =	vpop (xrf1)  }
0x64: {  	v22 =	vshll.u32 v19, $0x3;
	v40 =	vsel vm0, v18, v40;
	v23 =	vld.idx.msk [tilespmem:v41+s9+$0x0], $0xffff;
	v41 =	vadd.s32 s23, v20;
	[tilespmem:v25+s10+$0x0] =	vst.idx.msk $0xff, v6;
	v6, v16, _ =	vpop (xrf1)  }
0x65: {  	v18 =	vor.u32 v3, v22;
	v19 =	vld.idx.msk [tilespmem:v34+s9+$0x0], $0xffff;
	(xrf1) =	vsort.dscd.msk.f32 $0xffff, v31, v14;
	v14 =	vsel vm0, v39, v26  }
.Ltmp0:
0x66: {  	v28 =	vshll.u32 v28, $0x3;
	v26 =	vadd.s32 s22, v18;
	(xrf1) =	vsort.dscd.msk.f32 $0xffff, v29, v13;
	[tilespmem:v11+s10+$0x0] =	vst.idx.msk $0xff, v6;
	v6 =	vmovc v4;
	(pc) =	sbr.rel @p0 .LBB2_2-.Ltmp0, $4  }
0x67: {  	s23 =	sadd.s32 $0xFFFFFF80, s22;
	v22 =	vshll.u32 v30, $0x3;
	(xrf1) =	vsort.dscd.msk.f32 $0xffff, v24, v10;
	v10 =	vor.u32 v3, v28;
	[tilespmem:v25+s11+$0x0] =	vst.idx.msk $0xff, v37  }
0x68: {  	v13 =	vshll.u32 v42, $0x3;
	v4 =	vmovc v33;
	v28 =	vperm.xlane v38, v3;
	v24 =	vadd.s32 s23, v10;
	(xrf1) =	vsort.dscd.msk.f32 $0xffff, v43, v35  }
0x69: {  	v29 =	vshll.u32 v27, $0x3;
	v31 =	vshll.u32 v21, $0x3;
	v21 =	vor.u32 v3, v13;
	v27 =	vld.idx.msk [tilespmem:v41+s2+$0x0], $0xffff;
	v25, v30, _ =	vpop (xrf1);
	(xrf1) =	vsort.dscd.msk.f32 $0xffff, v36, v14  }
0x6a: {  	s31 =	sadd.s32 $0xFFFFFFC0, s22;
	s25 =	sadd.s32 $0x20, s25;
	v14 =	vor.u32 v3, v29;
	v13 =	vor.u32 v3, v31;
	v29 =	vadd.s32 s28, v21;
	(xrf1) =	vsort.dscd.msk.f32 $0xffff, v32, v40  }
0x6b: {  	_ =	sdelay $0x2  }
0x6c: {  	v31, v32, _ =	vpop (xrf1)  }
0x6d: {  	v15 =	vld.idx.msk [tilespmem:v15+s2+$0x0], $0xffff;
	v33, v34, _ =	vpop (xrf1)  }
0x6e: {  	v26 =	vld.idx.msk [tilespmem:v26+s2+$0x0], $0xffff;
	v17 =	vperm.xlane v17, v3;
	v35, v36, _ =	vpop (xrf1)  }
0x6f: {  	v37, v38, _ =	vpop (xrf1)  }
0x70: {  	v28 =	vsel vm0, v30, v28;
	v29 =	vld.idx.msk [tilespmem:v29+s2+$0x0], $0xffff;
	v17 =	vsel vm0, v25, v17;
	(xrf1) =	vsort.dscd.msk.f32 $0xffff, v27, v20;
	v47, v48, _ =	vpop (xrf1)  }
0x71: {  	(xrf1) =	vsort.dscd.msk.f32 $0xffff, v17, v28;
	v20 =	vperm.xlane v47, v3;
	v25 =	vperm.xlane v48, v3  }
0x72: {  	v9 =	vld.idx.msk [tilespmem:v9+s9+$0x0], $0xffff;
	(xrf1) =	vsort.dscd.msk.f32 $0xffff, v15, v8  }
0x73: {  	v49 =	vadd.s32 s31, v14;
	(xrf1) =	vsort.dscd.msk.f32 $0xffff, v26, v18;
	v50 =	vsel vm0, v33, v20;
	v51 =	vsel vm0, v34, v25  }
0x74: {  	v52 =	vadd.s32 s31, v13;
	v53 =	vshll.u32 v23, $0x3;
	(xrf1) =	vsort.dscd.msk.f32 $0xffff, v50, v51  }
0x75: {  	v54 =	vor.u32 v3, v53;
	(xrf1) =	vsort.dscd.msk.f32 $0xffff, v29, v21  }
0x76: {  	v55 =	vadd.s32 s22, v54  }
0x77: {  	v9 =	vshll.u32 v9, $0x3  }
0x78: {  	v8 =	vld.idx.msk [tilespmem:v49+s2+$0x0], $0xffff;
	v9 =	vor.u32 v3, v9;
	v56, v57, _ =	vpop (xrf1)  }
0x79: {  	v18 =	vld.idx.msk [tilespmem:v52+s2+$0x0], $0xffff;
	v60 =	vadd.s32 s23, v9;
	v59, v58, _ =	vpop (xrf1)  }
0x7a: {  	v24 =	vld.idx.msk [tilespmem:v24+s2+$0x0], $0xffff;
	v61, v62, _ =	vpop (xrf1)  }
0x7b: {  	v22 =	vor.u32 v3, v22;
	s31 =	sadd.s32 $0xFFFFFF40, s22;
	v19 =	vshll.u32 v19, $0x3;
	v17 =	vld.idx.msk [tilespmem:v55+s2+$0x0], $0xffff;
	v44, v63, _ =	vpop (xrf1)  }
0x7c: {  	v46 =	vadd.s32 s31, v22;
	v19 =	vor.u32 v3, v19;
	v47, v39, _ =	vpop (xrf1)  }
0x7d: {  	v40 =	vadd.s32 s31, v19;
	v45 =	vperm.xlane v35, v3;
	(xrf1) =	vsort.dscd.msk.f32 $0xffff, v8, v14;
	v8, v14, _ =	vpop (xrf1)  }
0x7e: {  	v23 =	vperm.xlane v59, v3;
	v25 =	vperm.xlane v58, v3;
	(xrf1) =	vsort.dscd.msk.f32 $0xffff, v18, v13;
	v48 =	vld.idx.msk [tilespmem:v60+s2+$0x0], $0xffff;
	v49, v50, _ =	vpop (xrf1)  }
0x7f: {  	v51 =	vperm.xlane v36, v3;
	v52 =	vperm.xlane v62, v3;
	(xrf1) =	vsort.dscd.msk.f32 $0xffff, v24, v10;
	v10, v24, _ =	vpop (xrf1)  }
0x80: {  	v20 =	vsel vm0, v56, v23;
	v21 =	vsel vm0, v57, v25;
	(xrf1) =	vsort.dscd.msk.f32 $0xffff, v17, v54;
	v15, v17, _ =	vpop (xrf1)  }
0x81: {  	v53 =	vld.idx.msk [tilespmem:v46+s2+$0x0], $0xffff;
	v29 =	vsel vm0, v44, v45;
	v23 =	vsel vm0, v63, v51;
	(xrf1) =	vsort.dscd.msk.f32 $0xffff, v20, v21;
	v55, v54, _ =	vpop (xrf1)  }
0x82: {  	v56 =	vperm.xlane v61, v3;
	(xrf1) =	vsort.dscd.msk.f32 $0xffff, v29, v23;
	v58, v57, _ =	vpop (xrf1)  }
0x83: {  	v59 =	vld.idx.msk [tilespmem:v40+s2+$0x0], $0xffff;
	v25 =	vsel vm0, v50, v52;
	(xrf1) =	vsort.dscd.msk.f32 $0xffff, v48, v9;
	v9, v13, _ =	vpop (xrf1)  }
0x84: {  	v18 =	vsel vm0, v49, v56;
	v9 =	vperm.xlane v9, v3;
	v13 =	vperm.xlane v13, v3  }
0x85: {  	(xrf1) =	vsort.dscd.msk.f32 $0xffff, v18, v25  }
0x86: {  	(xrf1) =	vsort.dscd.msk.f32 $0xffff, v53, v22;
	v9 =	vsel vm0, v15, v9;
	v13 =	vsel vm0, v17, v13  }
0x87: {  	(xrf1) =	vsort.dscd.msk.f32 $0xffff, v9, v13  }
0x88: {  	(xrf1) =	vsort.dscd.msk.f32 $0xffff, v59, v19;
	_ =	sdelay $0x2  }
0x89: {  	[tilespmem:v11+s11+$0x0] =	vst.idx.msk $0xff, v16;
	v61 =	vadd.s32 s14, v0  }
0x8a: {  	[tilespmem:v12+s10+$0x0] =	vst.idx.msk $0xff, v31;
	v63, v62, _ =	vpop (xrf1)  }
0x8b: {  	[tilespmem:v12+s11+$0x0] =	vst.idx.msk $0xff, v32;
	v60 =	vor.u32 s15, v0;
	v31, v30, _ =	vpop (xrf1)  }
0x8c: {  	[tilespmem:v5+s10+$0x0] =	vst.idx.msk $0xff, v37;
	v41 =	vperm.xlane v30, v3;
	v33, v32, _ =	vpop (xrf1)  }
0x8d: {  	[tilespmem:v5+s11+$0x0] =	vst.idx.msk $0xff, v38;
	v40 =	vperm.xlane v31, v3;
	v5, v34, _ =	vpop (xrf1)  }
0x8e: {  	v38 =	vadd.s32 s13, v0;
	[tilespmem:v61+s10+$0x0] =	vst.idx.msk $0xff, v8;
	v12 =	vsel vm0, v62, v41;
	v37, v36, _ =	vpop (xrf1)  }
0x8f: {  	v35 =	vperm.xlane v55, v3;
	v44 =	vperm.xlane v54, v3;
	v8 =	vsel vm0, v63, v40;
	v43, v42, _ =	vpop (xrf1)  }
0x90: {  	[tilespmem:v60+s10+$0x0] =	vst.idx.msk $0xff, v47;
	v45, v46, _ =	vpop (xrf1)  }
0x91: {  	(xrf1) =	vsort.dscd.msk.f32 $0xffff, v8, v12;
	v5 =	vsel vm0, v5, v35;
	v9 =	vsel vm0, v34, v44;
	v47, v48, _ =	vpop (xrf1)  }
0x92: {  	[tilespmem:v60+s11+$0x0] =	vst.idx.msk $0xff, v39;
	v18 =	vperm.xlane v32, v3;
	(xrf1) =	vsort.dscd.msk.f32 $0xffff, v5, v9;
	v8, v12, _ =	vpop (xrf1)  }
0x93: {  	[tilespmem:v61+s11+$0x0] =	vst.idx.msk $0xff, v14;
	v5 =	vperm.xlane v33, v3;
	v50, v49, _ =	vpop (xrf1)  }
0x94: {  	v51 =	vor.u32 s18, v0;
	v52 =	vadd.s32 s17, v0;
	[tilespmem:v38+s10+$0x0] =	vst.idx.msk $0xff, v10;
	v53 =	vsel vm0, v46, v18;
	v55, v54, _ =	vpop (xrf1)  }
0x95: {  	v5 =	vsel vm0, v45, v5;
	v18 =	vperm.xlane v55, v3;
	v19 =	vperm.xlane v54, v3  }
0x96: {  	[tilespmem:v38+s11+$0x0] =	vst.idx.msk $0xff, v24;
	(xrf1) =	vsort.dscd.msk.f32 $0xffff, v5, v53  }
0x97: {  	[tilespmem:v6+s10+$0x0] =	vst.idx.msk $0xff, v58;
	v5 =	vsel vm0, v8, v18;
	v56 =	vsel vm0, v12, v19  }
0x98: {  	[tilespmem:v6+s11+$0x0] =	vst.idx.msk $0xff, v57;
	v57 =	vadd.s32 s16, v0;
	(xrf1) =	vsort.dscd.msk.f32 $0xffff, v5, v56  }
0x99: {  	[tilespmem:v51+s10+$0x0] =	vst.idx.msk $0xff, v37  }
0x9a: {  	[tilespmem:v52+s10+$0x0] =	vst.idx.msk $0xff, v43  }
0x9b: {  	[tilespmem:v51+s11+$0x0] =	vst.idx.msk $0xff, v36  }
0x9c: {  	v58 =	vadd.s32 s20, v0;
	[tilespmem:v52+s11+$0x0] =	vst.idx.msk $0xff, v42  }
0x9d: {  	[tilespmem:v57+s10+$0x0] =	vst.idx.msk $0xff, v47  }
0x9e: {  	[tilespmem:v57+s11+$0x0] =	vst.idx.msk $0xff, v48;
	v5 =	vor.u32 s21, v0  }
0x9f: {  	[tilespmem:v4+s10+$0x0] =	vst.idx.msk $0xff, v50;
	v59, v60, _ =	vpop (xrf1)  }
0xa0: {  	[tilespmem:v4+s11+$0x0] =	vst.idx.msk $0xff, v49;
	v4 =	vadd.s32 s19, v0;
	v62, v61, _ =	vpop (xrf1)  }
0xa1: {  	[tilespmem:v58+s10+$0x0] =	vst.idx.msk $0xff, v62  }
0xa2: {  	[tilespmem:v58+s11+$0x0] =	vst.idx.msk $0xff, v61  }
0xa3: {  	[tilespmem:v5+s10+$0x0] =	vst.idx.msk $0xff, v59  }
0xa4: {  	[tilespmem:v5+s11+$0x0] =	vst.idx.msk $0xff, v60;
	v5, v63, _ =	vpop (xrf1)  }
0xa5: {  	[tilespmem:v4+s10+$0x0] =	vst.idx.msk $0xff, v5  }
0xa6: {  	[tilespmem:v4+s11+$0x0] =	vst.idx.msk $0xff, v63;
	v4, v5, _ =	vpop (xrf1)  }
0xa7: {  	[tilespmem:v7+s10+$0x0] =	vst.idx.msk $0xff, v4  }
0xa8: {  	[tilespmem:v7+s11+$0x0] =	vst.idx.msk $0xff, v5  }
0xa9: {  	[hbm4b:s5+s2] =	stream.linear.scatter [tilespmem:s10], [sflag:$0x1], $0x2000, $0x38;
	[tilespmem:$0x16000] =	vst v63  }
0xaa: {  	s12 =	sadd.s32 $0x1, s12;
	_ =	swait.ge [sflag:s8], $0x2000  }
0xab: {  	p0 =	sne.s32 s12, s7;
	[sflag:s8] =	ssyncset.done $0x0  }
.Ltmp1:
0xac: {  	[sflag:s8] =	ssyncadd.s32 $0xFFFFE000;
	(pc) =	sbr.rel @p0 .LBB2_1-.Ltmp1, $4  }
0xad: {  	[hbm4b:s6+s2] =	stream.linear.scatter [tilespmem:s11], [sflag:$0x1], $0x2000, $0x38;
	[tilespmem:$0x16000] =	vst v63  }
0xae: {  	_ =	swait.ge [sflag:s8], $0x2000  }
0xaf: {  	[sflag:s8] =	ssyncset.done $0x0  }
0xb0: {  	[sflag:s8] =	ssyncadd.s32 $0xFFFFE000  }
0xb1: {  	_ =	sfence.sel $0x180000  }
0xb2: {  	[bflag:$0x0] =	sbarrier.arrive $0xFFFF  }
0xb3: {  	p0 =	sne.s32 s1, $0x0;
	_ =	strace $0x90000047  }
0xb4: {  	s0 =	sadd.s32 @!p0 $0x100000, s0;
	[bflag:$0x2] =	sbarrier.arrive $0xFFFF  }
0xb5: {  	[sflag:s0] =	ssyncadd.tile.s32 @!p0 $0x1;
	_ =	shalt  }
.Lfunc_end2:
_tile_overlayer_lowered:
.L_overlay_start_2:
0xb6: {  	(tag) =	ssettag $0x2  }
0xb7: {  	s0 =	rddreg [dreg:$0x0];
	s2 =	stileid.u32  }
0xb8: {  	s1 =	rddreg [dreg:$0x1];
	p0 =	sne.s32 s2, $0x0  }
0xb9: {  	s3 =	rddreg [dreg:$0x2];
	[bflag:$0x3] =	sbarrier.arrive $0xFFFF;
	s2 =	simm.s32 @!p0 $0x1C01  }
0xba: {  	[timem:s3], [sflag:s2] =	dma.local @!p0 [hbm:s0], s1  }
0xbb: {  	s0 =	simm.s32 @!p0 $0x1  }
0xbc: {  	_ =	swait.ge @!p0 [sflag:s0], s1  }
0xbd: {  	s1 =	ssub.s32 @!p0 $0x0, s1;
	[sflag:s0] =	ssyncset.done @!p0 $0x0  }
0xbe: {  	[sflag:s0] =	ssyncadd.s32 @!p0 s1  }
0xbf: {  	[bflag:$0x3] =	sbarrier.arrive $0xFFFF  }
0xc0: {  	_ =	shalt  }

</sc_bundles>
